<compile_context>
chip_gen: v7x
topology: tpu7x:2x2x1
jax: 0.10.2.dev20260603
libtpu: 0.0.44.dev20260713+nightly
codegen_flags: <defaults>
</compile_context>

<pallas_src>
import functools

import jax
import jax.numpy as jnp
from jax import lax
from jax.experimental import pallas as pl
from jax.experimental.pallas import tpu as pltpu
from jax.experimental.pallas import tpu_sc as plsc

SEQ = 200
BATCH = 1024
D = 128
B = SEQ * BATCH

NC = 2
NS = 16
NW = NC * NS
L = 16

C = 128
CHUNKS = B // C
CHUNKS_PER_W = CHUNKS // NW
CHUNKS_PER_SEQ = BATCH // C


def _embed_kernel(x_hbm, pe_hbm, table_hbm, out_hbm, idx_v, rows_v, pe_v, sem):
    wid = lax.axis_index("s") * NC + lax.axis_index("c")

    def chunk_body(i, carry):
        g = wid * CHUNKS_PER_W + i
        s = g // CHUNKS_PER_SEQ
        pltpu.sync_copy(x_hbm.at[pl.ds(g * C, C)], idx_v)
        pltpu.sync_copy(pe_hbm.at[pl.ds(s * D, D)], pe_v)
        pltpu.async_copy(table_hbm.at[idx_v], rows_v, sem).wait()
        pe_regs = [pe_v[pl.ds(j * L, L)] for j in range(D // L)]

        def row_body(r, c2):
            for j in range(D // L):
                sl = pl.ds(j * L, L)
                rows_v[r, sl] = rows_v[r, sl] + pe_regs[j]
            return c2

        lax.fori_loop(0, C, row_body, 0)
        pltpu.sync_copy(rows_v, out_hbm.at[pl.ds(g * C, C)])
        return carry

    lax.fori_loop(0, CHUNKS_PER_W, chunk_body, 0)


@jax.jit
def _embed(x_flat, pe_flat, table):
    mesh = plsc.VectorSubcoreMesh(core_axis_name="c", subcore_axis_name="s")
    kern = functools.partial(
        pl.kernel,
        out_type=jax.ShapeDtypeStruct((B, D), jnp.float32),
        mesh=mesh,
        scratch_types=[
            pltpu.VMEM((C,), jnp.int32),
            pltpu.VMEM((C, D), jnp.float32),
            pltpu.VMEM((D,), jnp.float32),
            pltpu.SemaphoreType.DMA,
        ],
    )(_embed_kernel)
    return kern(x_flat, pe_flat, table)


def kernel(x, table, pe):
    x_flat = x.reshape(-1).astype(jnp.int32)
    pe_flat = pe.reshape(-1)
    out = _embed(x_flat, pe_flat, table)
    return out.reshape(SEQ, BATCH, D)

# --- scband reference (transcript-rebuilt; emitter-appended) ---
"""Pipeline reference for scband-embedder-43267500540124 (READ-ONLY COPY).

The authoritative reference and input builder live on the scoring server;
editing this copy changes nothing except your own understanding.
"""

import jax, jax.numpy as jnp
import numpy as np

VOCAB = 1000000
D_MODEL = 128
MAX_SEQ_LEN = 200
SEQ = 200
BATCH = 1024


def make_positional_encodings():
    position = np.arange(0, MAX_SEQ_LEN, dtype=np.float32)[:, None]
    div_term = np.power(1000.0, 2.0 * np.arange(0, D_MODEL, 2, dtype=np.float32) / D_MODEL)
    pe = np.zeros((MAX_SEQ_LEN, D_MODEL), dtype=np.float32)
    pe[:, 0::2] = np.sin(position / div_term)
    pe[:, 1::2] = np.cos(position / div_term)
    # unsqueeze(0).transpose(0,1) -> [max_seq_len, 1, d_model]
    return jnp.asarray(pe[:, None, :])


def setup_inputs(seed: int = 0) -> dict:
    key = jax.random.key(seed)
    k1, k2 = jax.random.split(key)
    x = jax.random.randint(k1, (SEQ, BATCH), 0, VOCAB, dtype=jnp.int64 if jax.config.jax_enable_x64 else jnp.int32)
    table = jax.random.normal(k2, (VOCAB, D_MODEL), dtype=jnp.float32)
    pe = make_positional_encodings()
    return {"x": x, "table": table, "pe": pe}


def reference(x, table, pe):
    # nn.Embedding lookup
    embedded = jnp.take(table, x, axis=0)  # [SEQ, BATCH, D_MODEL]
    # PositionalEncoder: x + pe[:x.size(0)]; dropout p=0.0 is identity
    out = embedded + pe[: x.shape[0]]
    return out

if __name__ == "__main__":
    import jax
    _d = setup_inputs()
    print(jax.jit(kernel)(*tuple(_d.values())))

</pallas_src>

<mosaic_0001>
#map = affine_map<(d0, d1) -> (0)>
#map1 = affine_map<(d0, d1) -> (0, 0)>
module attributes {stable_mosaic.version = 14 : i64} {
  func.func @_embed_kernel(%arg0: i32, %arg1: i32, %arg2: memref<204800xi32, #tpu.memory_space<hbm>>, %arg3: memref<25600xf32, #tpu.memory_space<hbm>>, %arg4: memref<1000000x128xf32, #tpu.memory_space<hbm>>, %arg5: memref<204800x128xf32, #tpu.memory_space<hbm>>, %arg6: memref<128xi32, #tpu.memory_space<vmem>>, %arg7: memref<128x128xf32, #tpu.memory_space<vmem>>, %arg8: memref<128xf32, #tpu.memory_space<vmem>>, %arg9: memref<!tpu.dma_semaphore, #tpu.memory_space<semaphore_mem>>) attributes {dimension_semantics = [#tpu.dimension_semantics<core_parallel>, #tpu.dimension_semantics<subcore_parallel>], iteration_bounds = array<i64: 2, 16>, scalar_prefetch = 0 : i64, scratch_operands = 4 : i64, tpu.core_type = #tpu.core_type<sc_vector_subcore>, window_params = [{transform_indices = #map}, {transform_indices = #map}, {transform_indices = #map1}, {transform_indices = #map1}]} {
    %mul3A = arith.constant 2 : i32
    %mul3A_0 = arith.muli %arg1, %mul3A : i32
    %add3A = arith.addi %mul3A_0, %arg0 : i32
    %scan3A = arith.constant 0 : i32
    %scan3A_1 = arith.constant 0 : i32
    %scan3A_2 = arith.constant 50 : i32
    %scan3A_3 = arith.addi %scan3A_1, %scan3A_2 : i32
    %scan3A_4 = arith.constant 1 : i32
    scf.for %scan3A_6 = %scan3A_1 to %scan3A_3 step %scan3A_4  : i32 {
      %mul3A_7 = arith.constant 50 : i32
      %mul3A_8 = arith.muli %add3A, %mul3A_7 : i32
      %add3A_9 = arith.addi %mul3A_8, %scan3A_6 : i32
      %jit3A = arith.constant 8 : i32
      %div3A = arith.divsi %add3A_9, %jit3A : i32
      %sign3A = arith.constant 0 : i32
      %sign3A_10 = arith.cmpi sgt, %add3A_9, %sign3A : i32
      %sign3A_11 = arith.extui %sign3A_10 : i1 to i32
      %sign3A_12 = arith.constant 0 : i32
      %sign3A_13 = arith.cmpi slt, %add3A_9, %sign3A_12 : i32
      %sign3A_14 = arith.extui %sign3A_13 : i1 to i32
      %sign3A_15 = arith.subi %sign3A_11, %sign3A_14 : i32
      %sign3A_16 = arith.constant 0 : i32
      %sign3A_17 = arith.cmpi sgt, %jit3A, %sign3A_16 : i32
      %sign3A_18 = arith.extui %sign3A_17 : i1 to i32
      %sign3A_19 = arith.constant 0 : i32
      %sign3A_20 = arith.cmpi slt, %jit3A, %sign3A_19 : i32
      %sign3A_21 = arith.extui %sign3A_20 : i1 to i32
      %sign3A_22 = arith.subi %sign3A_18, %sign3A_21 : i32
      %ne3A = arith.cmpi ne, %sign3A_15, %sign3A_22 : i32
      %rem3A = arith.remsi %add3A_9, %jit3A : i32
      %ne3A_23 = arith.constant 0 : i32
      %ne3A_24 = arith.cmpi ne, %rem3A, %ne3A_23 : i32
      %and3A = arith.andi %ne3A, %ne3A_24 : i1
      %sub3A = arith.constant 1 : i32
      %sub3A_25 = arith.subi %div3A, %sub3A : i32
      %select_n3A = arith.select %and3A, %sub3A_25, %div3A : i32
      %mul3A_26 = arith.constant 128 : i32
      %mul3A_27 = arith.muli %add3A_9, %mul3A_26 : i32
      "tpu.region"() ({
        %run_scoped3A = tpu.sem_alloc : memref<!tpu.dma_semaphore, #tpu.memory_space<semaphore_mem>>
        %dma_start3A_65 = tpu.memref_slice %arg2[%mul3A_27] : memref<204800xi32, #tpu.memory_space<hbm>> -> memref<128xi32, #tpu.memory_space<hbm>>
        %dma_start3A_66 = tpu.memref_slice %arg2[%mul3A_27] : memref<204800xi32, #tpu.memory_space<hbm>> -> memref<128xi32, #tpu.memory_space<hbm>>
        tpu.enqueue_dma source(%dma_start3A_66 : memref<128xi32, #tpu.memory_space<hbm>>) target(%arg6 : memref<128xi32, #tpu.memory_space<vmem>>) target_semaphore(%run_scoped3A : memref<!tpu.dma_semaphore, #tpu.memory_space<semaphore_mem>>)
        %dma_wait3A_67 = tpu.memref_slice %arg2[%mul3A_27] : memref<204800xi32, #tpu.memory_space<hbm>> -> memref<128xi32, #tpu.memory_space<hbm>>
        %dma_wait3A_68 = tpu.memref_slice %arg2[%mul3A_27] : memref<204800xi32, #tpu.memory_space<hbm>> -> memref<128xi32, #tpu.memory_space<hbm>>
        tpu.wait_dma2 semaphore(%run_scoped3A : memref<!tpu.dma_semaphore, #tpu.memory_space<semaphore_mem>>) src(%dma_wait3A_68 : memref<128xi32, #tpu.memory_space<hbm>>) dst(%arg6 : memref<128xi32, #tpu.memory_space<vmem>>)
        tpu.yield
      }) : () -> ()
      %mul3A_28 = arith.constant 128 : i32
      %mul3A_29 = arith.muli %select_n3A, %mul3A_28 : i32
      "tpu.region"() ({
        %run_scoped3A = tpu.sem_alloc : memref<!tpu.dma_semaphore, #tpu.memory_space<semaphore_mem>>
        %dma_start3A_65 = tpu.memref_slice %arg3[%mul3A_29] : memref<25600xf32, #tpu.memory_space<hbm>> -> memref<128xf32, #tpu.memory_space<hbm>>
        %dma_start3A_66 = tpu.memref_slice %arg3[%mul3A_29] : memref<25600xf32, #tpu.memory_space<hbm>> -> memref<128xf32, #tpu.memory_space<hbm>>
        tpu.enqueue_dma source(%dma_start3A_66 : memref<128xf32, #tpu.memory_space<hbm>>) target(%arg8 : memref<128xf32, #tpu.memory_space<vmem>>) target_semaphore(%run_scoped3A : memref<!tpu.dma_semaphore, #tpu.memory_space<semaphore_mem>>)
        %dma_wait3A_67 = tpu.memref_slice %arg3[%mul3A_29] : memref<25600xf32, #tpu.memory_space<hbm>> -> memref<128xf32, #tpu.memory_space<hbm>>
        %dma_wait3A_68 = tpu.memref_slice %arg3[%mul3A_29] : memref<25600xf32, #tpu.memory_space<hbm>> -> memref<128xf32, #tpu.memory_space<hbm>>
        tpu.wait_dma2 semaphore(%run_scoped3A : memref<!tpu.dma_semaphore, #tpu.memory_space<semaphore_mem>>) src(%dma_wait3A_68 : memref<128xf32, #tpu.memory_space<hbm>>) dst(%arg8 : memref<128xf32, #tpu.memory_space<vmem>>)
        tpu.yield
      }) : () -> ()
      %dma_start3A = arith.constant 0 : i32
      %dma_start3A_30 = arith.constant 0 : i32
      %dma_start3A_31 = tpu.memref_slice %arg4[%dma_start3A, %dma_start3A_30] : memref<1000000x128xf32, #tpu.memory_space<hbm>> -> memref<1000000x128xf32, #tpu.memory_space<hbm>>
      tpu.enqueue_indirect_dma source(%dma_start3A_31 : memref<1000000x128xf32, #tpu.memory_space<hbm>>) target(%arg7 : memref<128x128xf32, #tpu.memory_space<vmem>>) offsets(%arg6 : memref<128xi32, #tpu.memory_space<vmem>>) semaphore(%arg9 : memref<!tpu.dma_semaphore, #tpu.memory_space<semaphore_mem>>)
      %dma_wait3A = arith.constant 0 : i32
      %dma_wait3A_32 = arith.constant 0 : i32
      %dma_wait3A_33 = tpu.memref_slice %arg4[%dma_wait3A, %dma_wait3A_32] : memref<1000000x128xf32, #tpu.memory_space<hbm>> -> memref<1000000x128xf32, #tpu.memory_space<hbm>>
      tpu.wait_indirect_dma semaphore(%arg9 : memref<!tpu.dma_semaphore, #tpu.memory_space<semaphore_mem>>) src(%dma_wait3A_33 : memref<1000000x128xf32, #tpu.memory_space<hbm>>) dst(%arg7 : memref<128x128xf32, #tpu.memory_space<vmem>>)
      %get3A = arith.constant 0 : index
      %get3A_34 = tpu.vector_load %arg8[%get3A] {strides = array<i32>} : memref<128xf32, #tpu.memory_space<vmem>>, vector<16xf32>,
      %get3A_35 = vector.shape_cast %get3A_34 : vector<16xf32> to vector<16xf32>
      %get3A_36 = arith.constant 16 : index
      %get3A_37 = tpu.vector_load %arg8[%get3A_36] {strides = array<i32>} : memref<128xf32, #tpu.memory_space<vmem>>, vector<16xf32>,
      %get3A_38 = vector.shape_cast %get3A_37 : vector<16xf32> to vector<16xf32>
      %get3A_39 = arith.constant 32 : index
      %get3A_40 = tpu.vector_load %arg8[%get3A_39] {strides = array<i32>} : memref<128xf32, #tpu.memory_space<vmem>>, vector<16xf32>,
      %get3A_41 = vector.shape_cast %get3A_40 : vector<16xf32> to vector<16xf32>
      %get3A_42 = arith.constant 48 : index
      %get3A_43 = tpu.vector_load %arg8[%get3A_42] {strides = array<i32>} : memref<128xf32, #tpu.memory_space<vmem>>, vector<16xf32>,
      %get3A_44 = vector.shape_cast %get3A_43 : vector<16xf32> to vector<16xf32>
      %get3A_45 = arith.constant 64 : index
      %get3A_46 = tpu.vector_load %arg8[%get3A_45] {strides = array<i32>} : memref<128xf32, #tpu.memory_space<vmem>>, vector<16xf32>,
      %get3A_47 = vector.shape_cast %get3A_46 : vector<16xf32> to vector<16xf32>
      %get3A_48 = arith.constant 80 : index
      %get3A_49 = tpu.vector_load %arg8[%get3A_48] {strides = array<i32>} : memref<128xf32, #tpu.memory_space<vmem>>, vector<16xf32>,
      %get3A_50 = vector.shape_cast %get3A_49 : vector<16xf32> to vector<16xf32>
      %get3A_51 = arith.constant 96 : index
      %get3A_52 = tpu.vector_load %arg8[%get3A_51] {strides = array<i32>} : memref<128xf32, #tpu.memory_space<vmem>>, vector<16xf32>,
      %get3A_53 = vector.shape_cast %get3A_52 : vector<16xf32> to vector<16xf32>
      %get3A_54 = arith.constant 112 : index
      %get3A_55 = tpu.vector_load %arg8[%get3A_54] {strides = array<i32>} : memref<128xf32, #tpu.memory_space<vmem>>, vector<16xf32>,
      %get3A_56 = vector.shape_cast %get3A_55 : vector<16xf32> to vector<16xf32>
      %scan3A_57 = arith.constant 0 : i32
      %scan3A_58 = arith.constant 0 : i32
      %scan3A_59 = arith.constant 128 : i32
      %scan3A_60 = arith.addi %scan3A_58, %scan3A_59 : i32
      %scan3A_61 = arith.constant 1 : i32
      scf.for %scan3A_65 = %scan3A_58 to %scan3A_60 step %scan3A_61  : i32 {
        %get3A_66 = arith.index_cast %scan3A_65 : i32 to index
        %get3A_67 = arith.constant 0 : index
        %get3A_68 = tpu.vector_load %arg7[%get3A_66, %get3A_67] {strides = array<i32>} : memref<128x128xf32, #tpu.memory_space<vmem>>, vector<1x16xf32>,
        %get3A_69 = vector.shape_cast %get3A_68 : vector<1x16xf32> to vector<16xf32>
        %add3A_70 = arith.addf %get3A_69, %get3A_35 : vector<16xf32>
        %swap3A = arith.index_cast %scan3A_65 : i32 to index
        %swap3A_71 = arith.constant 0 : index
        %swap3A_72 = tpu.vector_load %arg7[%swap3A, %swap3A_71] {strides = array<i32>} : memref<128x128xf32, #tpu.memory_space<vmem>>, vector<1x16xf32>,
        %swap3A_73 = vector.shape_cast %swap3A_72 : vector<1x16xf32> to vector<16xf32>
        %swap3A_74 = vector.shape_cast %add3A_70 : vector<16xf32> to vector<1x16xf32>
        tpu.vector_store %arg7[%swap3A, %swap3A_71], %swap3A_74 {strides = array<i32>} : memref<128x128xf32, #tpu.memory_space<vmem>>, vector<1x16xf32>,
        %get3A_75 = arith.index_cast %scan3A_65 : i32 to index
        %get3A_76 = arith.constant 16 : index
        %get3A_77 = tpu.vector_load %arg7[%get3A_75, %get3A_76] {strides = array<i32>} : memref<128x128xf32, #tpu.memory_space<vmem>>, vector<1x16xf32>,
        %get3A_78 = vector.shape_cast %get3A_77 : vector<1x16xf32> to vector<16xf32>
        %add3A_79 = arith.addf %get3A_78, %get3A_38 : vector<16xf32>
        %swap3A_80 = arith.index_cast %scan3A_65 : i32 to index
        %swap3A_81 = arith.constant 16 : index
        %swap3A_82 = tpu.vector_load %arg7[%swap3A_80, %swap3A_81] {strides = array<i32>} : memref<128x128xf32, #tpu.memory_space<vmem>>, vector<1x16xf32>,
        %swap3A_83 = vector.shape_cast %swap3A_82 : vector<1x16xf32> to vector<16xf32>
        %swap3A_84 = vector.shape_cast %add3A_79 : vector<16xf32> to vector<1x16xf32>
        tpu.vector_store %arg7[%swap3A_80, %swap3A_81], %swap3A_84 {strides = array<i32>} : memref<128x128xf32, #tpu.memory_space<vmem>>, vector<1x16xf32>,
        %get3A_85 = arith.index_cast %scan3A_65 : i32 to index
        %get3A_86 = arith.constant 32 : index
        %get3A_87 = tpu.vector_load %arg7[%get3A_85, %get3A_86] {strides = array<i32>} : memref<128x128xf32, #tpu.memory_space<vmem>>, vector<1x16xf32>,
        %get3A_88 = vector.shape_cast %get3A_87 : vector<1x16xf32> to vector<16xf32>
        %add3A_89 = arith.addf %get3A_88, %get3A_41 : vector<16xf32>
        %swap3A_90 = arith.index_cast %scan3A_65 : i32 to index
        %swap3A_91 = arith.constant 32 : index
        %swap3A_92 = tpu.vector_load %arg7[%swap3A_90, %swap3A_91] {strides = array<i32>} : memref<128x128xf32, #tpu.memory_space<vmem>>, vector<1x16xf32>,
        %swap3A_93 = vector.shape_cast %swap3A_92 : vector<1x16xf32> to vector<16xf32>
        %swap3A_94 = vector.shape_cast %add3A_89 : vector<16xf32> to vector<1x16xf32>
        tpu.vector_store %arg7[%swap3A_90, %swap3A_91], %swap3A_94 {strides = array<i32>} : memref<128x128xf32, #tpu.memory_space<vmem>>, vector<1x16xf32>,
        %get3A_95 = arith.index_cast %scan3A_65 : i32 to index
        %get3A_96 = arith.constant 48 : index
        %get3A_97 = tpu.vector_load %arg7[%get3A_95, %get3A_96] {strides = array<i32>} : memref<128x128xf32, #tpu.memory_space<vmem>>, vector<1x16xf32>,
        %get3A_98 = vector.shape_cast %get3A_97 : vector<1x16xf32> to vector<16xf32>
        %add3A_99 = arith.addf %get3A_98, %get3A_44 : vector<16xf32>
        %swap3A_100 = arith.index_cast %scan3A_65 : i32 to index
        %swap3A_101 = arith.constant 48 : index
        %swap3A_102 = tpu.vector_load %arg7[%swap3A_100, %swap3A_101] {strides = array<i32>} : memref<128x128xf32, #tpu.memory_space<vmem>>, vector<1x16xf32>,
        %swap3A_103 = vector.shape_cast %swap3A_102 : vector<1x16xf32> to vector<16xf32>
        %swap3A_104 = vector.shape_cast %add3A_99 : vector<16xf32> to vector<1x16xf32>
        tpu.vector_store %arg7[%swap3A_100, %swap3A_101], %swap3A_104 {strides = array<i32>} : memref<128x128xf32, #tpu.memory_space<vmem>>, vector<1x16xf32>,
        %get3A_105 = arith.index_cast %scan3A_65 : i32 to index
        %get3A_106 = arith.constant 64 : index
        %get3A_107 = tpu.vector_load %arg7[%get3A_105, %get3A_106] {strides = array<i32>} : memref<128x128xf32, #tpu.memory_space<vmem>>, vector<1x16xf32>,
        %get3A_108 = vector.shape_cast %get3A_107 : vector<1x16xf32> to vector<16xf32>
        %add3A_109 = arith.addf %get3A_108, %get3A_47 : vector<16xf32>
        %swap3A_110 = arith.index_cast %scan3A_65 : i32 to index
        %swap3A_111 = arith.constant 64 : index
        %swap3A_112 = tpu.vector_load %arg7[%swap3A_110, %swap3A_111] {strides = array<i32>} : memref<128x128xf32, #tpu.memory_space<vmem>>, vector<1x16xf32>,
        %swap3A_113 = vector.shape_cast %swap3A_112 : vector<1x16xf32> to vector<16xf32>
        %swap3A_114 = vector.shape_cast %add3A_109 : vector<16xf32> to vector<1x16xf32>
        tpu.vector_store %arg7[%swap3A_110, %swap3A_111], %swap3A_114 {strides = array<i32>} : memref<128x128xf32, #tpu.memory_space<vmem>>, vector<1x16xf32>,
        %get3A_115 = arith.index_cast %scan3A_65 : i32 to index
        %get3A_116 = arith.constant 80 : index
        %get3A_117 = tpu.vector_load %arg7[%get3A_115, %get3A_116] {strides = array<i32>} : memref<128x128xf32, #tpu.memory_space<vmem>>, vector<1x16xf32>,
        %get3A_118 = vector.shape_cast %get3A_117 : vector<1x16xf32> to vector<16xf32>
        %add3A_119 = arith.addf %get3A_118, %get3A_50 : vector<16xf32>
        %swap3A_120 = arith.index_cast %scan3A_65 : i32 to index
        %swap3A_121 = arith.constant 80 : index
        %swap3A_122 = tpu.vector_load %arg7[%swap3A_120, %swap3A_121] {strides = array<i32>} : memref<128x128xf32, #tpu.memory_space<vmem>>, vector<1x16xf32>,
        %swap3A_123 = vector.shape_cast %swap3A_122 : vector<1x16xf32> to vector<16xf32>
        %swap3A_124 = vector.shape_cast %add3A_119 : vector<16xf32> to vector<1x16xf32>
        tpu.vector_store %arg7[%swap3A_120, %swap3A_121], %swap3A_124 {strides = array<i32>} : memref<128x128xf32, #tpu.memory_space<vmem>>, vector<1x16xf32>,
        %get3A_125 = arith.index_cast %scan3A_65 : i32 to index
        %get3A_126 = arith.constant 96 : index
        %get3A_127 = tpu.vector_load %arg7[%get3A_125, %get3A_126] {strides = array<i32>} : memref<128x128xf32, #tpu.memory_space<vmem>>, vector<1x16xf32>,
        %get3A_128 = vector.shape_cast %get3A_127 : vector<1x16xf32> to vector<16xf32>
        %add3A_129 = arith.addf %get3A_128, %get3A_53 : vector<16xf32>
        %swap3A_130 = arith.index_cast %scan3A_65 : i32 to index
        %swap3A_131 = arith.constant 96 : index
        %swap3A_132 = tpu.vector_load %arg7[%swap3A_130, %swap3A_131] {strides = array<i32>} : memref<128x128xf32, #tpu.memory_space<vmem>>, vector<1x16xf32>,
        %swap3A_133 = vector.shape_cast %swap3A_132 : vector<1x16xf32> to vector<16xf32>
        %swap3A_134 = vector.shape_cast %add3A_129 : vector<16xf32> to vector<1x16xf32>
        tpu.vector_store %arg7[%swap3A_130, %swap3A_131], %swap3A_134 {strides = array<i32>} : memref<128x128xf32, #tpu.memory_space<vmem>>, vector<1x16xf32>,
        %get3A_135 = arith.index_cast %scan3A_65 : i32 to index
        %get3A_136 = arith.constant 112 : index
        %get3A_137 = tpu.vector_load %arg7[%get3A_135, %get3A_136] {strides = array<i32>} : memref<128x128xf32, #tpu.memory_space<vmem>>, vector<1x16xf32>,
        %get3A_138 = vector.shape_cast %get3A_137 : vector<1x16xf32> to vector<16xf32>
        %add3A_139 = arith.addf %get3A_138, %get3A_56 : vector<16xf32>
        %swap3A_140 = arith.index_cast %scan3A_65 : i32 to index
        %swap3A_141 = arith.constant 112 : index
        %swap3A_142 = tpu.vector_load %arg7[%swap3A_140, %swap3A_141] {strides = array<i32>} : memref<128x128xf32, #tpu.memory_space<vmem>>, vector<1x16xf32>,
        %swap3A_143 = vector.shape_cast %swap3A_142 : vector<1x16xf32> to vector<16xf32>
        %swap3A_144 = vector.shape_cast %add3A_139 : vector<16xf32> to vector<1x16xf32>
        tpu.vector_store %arg7[%swap3A_140, %swap3A_141], %swap3A_144 {strides = array<i32>} : memref<128x128xf32, #tpu.memory_space<vmem>>, vector<1x16xf32>,
      }
      %scan3A_62 = arith.constant 128 : i32
      %mul3A_63 = arith.constant 128 : i32
      %mul3A_64 = arith.muli %add3A_9, %mul3A_63 : i32
      "tpu.region"() ({
        %run_scoped3A = tpu.sem_alloc : memref<!tpu.dma_semaphore, #tpu.memory_space<semaphore_mem>>
        %dma_start3A_65 = arith.constant 0 : i32
        %dma_start3A_66 = tpu.memref_slice %arg5[%mul3A_64, %dma_start3A_65] : memref<204800x128xf32, #tpu.memory_space<hbm>> -> memref<128x128xf32, #tpu.memory_space<hbm>>
        %dma_start3A_67 = arith.constant 0 : i32
        %dma_start3A_68 = tpu.memref_slice %arg5[%mul3A_64, %dma_start3A_67] : memref<204800x128xf32, #tpu.memory_space<hbm>> -> memref<128x128xf32, #tpu.memory_space<hbm>>
        tpu.enqueue_dma source(%arg7 : memref<128x128xf32, #tpu.memory_space<vmem>>) target(%dma_start3A_68 : memref<128x128xf32, #tpu.memory_space<hbm>>) target_semaphore(%run_scoped3A : memref<!tpu.dma_semaphore, #tpu.memory_space<semaphore_mem>>)
        %dma_wait3A_69 = arith.constant 0 : i32
        %dma_wait3A_70 = tpu.memref_slice %arg5[%mul3A_64, %dma_wait3A_69] : memref<204800x128xf32, #tpu.memory_space<hbm>> -> memref<128x128xf32, #tpu.memory_space<hbm>>
        %dma_wait3A_71 = arith.constant 0 : i32
        %dma_wait3A_72 = tpu.memref_slice %arg5[%mul3A_64, %dma_wait3A_71] : memref<204800x128xf32, #tpu.memory_space<hbm>> -> memref<128x128xf32, #tpu.memory_space<hbm>>
        tpu.wait_dma2 semaphore(%run_scoped3A : memref<!tpu.dma_semaphore, #tpu.memory_space<semaphore_mem>>) src(%arg7 : memref<128x128xf32, #tpu.memory_space<vmem>>) dst(%dma_wait3A_72 : memref<128x128xf32, #tpu.memory_space<hbm>>)
        tpu.yield
      }) : () -> ()
    }
    %scan3A_5 = arith.constant 50 : i32
    return
  }
}

</mosaic_0001>

<sc_bundles>
// kernel: _embed.3.cloned.1.call-start
scs
__scs_entry_jumppad:
0x0: {  	(pc) =	sbr.rel $0x88, $3  }
0x1: {  	(tag) =	ssettag $0x0;
	lr =	simm.s32 $0x1  }
0x2: {  	[smem:$0x3F9E] =	sst lr;
	_ =	strace $0xD0000000  }
0x3: {  	_ = 	snop  }
0x4: {  	_ = 	snop  }
0x5: {  	_ = 	snop  }
0x6: {  	_ = 	snop  }
0x7: {  	_ = 	snop  }
__scs_overlays_trampoline_lowered:
0x8: {  	[smem:$0x3FAD] =	sst s0  }
0x9: {  	[smem:$0x3FAE] =	sst s1  }
0xa: {  	[smem:$0x3FAF] =	sst s2  }
0xb: {  	[smem:$0x3FB0] =	sst s3  }
0xc: {  	[smem:$0x3FB1] =	sst s4  }
0xd: {  	[smem:$0x3FB2] =	sst s5  }
0xe: {  	[smem:$0x3FB3] =	sst s6  }
0xf: {  	[smem:$0x3FB4] =	sst s7  }
0x10: {  	[smem:$0x3FB5] =	sst s8  }
0x11: {  	[smem:$0x3FB6] =	sst s9;
	s0 =	simm.s32 @!p0 $0x0  }
0x12: {  	s1 =	sld [smem:$0x3F9C];
	s0 =	simm.s32 @p0 $0x1  }
0x13: {  	[smem:$0x3FB7] =	sst s0;
	s0 =	simm.s32 @!p1 $0x0  }
0x14: {  	s2 =	sld [smem:$0x3F9B];
	s0 =	simm.s32 @p1 $0x1  }
0x15: {  	[smem:$0x3FB8] =	sst s0;
	s0 =	simm.s32 @!p2 $0x0  }
0x16: {  	s3 =	sld [smem:$0x3FDB];
	s0 =	simm.s32 @p2 $0x1  }
0x17: {  	s4 =	simm.s32 $0x1BF5;
	[smem:$0x3FBA] =	sst s0  }
0x18: {  	s0 =	sld [smem:$0x3F9D];
	_ =	swait.ge [sflag:s4], $0x0  }
0x19: {  	s7 =	sld [smem:$0x3F9E]  }
0x1a: {  	s8 =	sadd.s32 $0xFFFFE003, lr  }
0x1b: {  	s9 =	sadd.s32 $0xFFFFFEF7, lr;
	s5 =	simm.s32 $0xFFFFFFFF;
	p2 =	slt.u32 s8, $0xFFFFF086  }
0x1c: {  	p1 =	slt.u32 s9, $0xF7A;
	s5 =	simm.s32 @!p2 $0x0  }
0x1d: {  	s5 =	simm.s32 @p1 $0x1;
	p0 =	seq.s32 s7, s2  }
0x1e: {  	s7 =	smul.u32 @!p0 $0xF7A, s2;
	p2 =	seq.s32 @!p0 s5, $0x0  }
0x1f: {  	s9 =	smul.u32 $0xF7A, s1;
	s8 =	simm.s32 @!p0 $0x1BF5;
	p2 =	por !p2, p0  }
0x20: {  	[sflag:s8] =	ssyncset.s32 @!p0 $0xFFFFF086;
	s6 =	sadd.s32 @!p0 s3, s7;
	s7 =	simm.s32 @!p0 $0x108  }
0x21: {  	s3 =	sadd.s32 s3, s9;
	s6 =	sadd.s32 @!p0 $0x88, s6;
	s7 =	simm.s32 @p2 $0x1082  }
0x22: {  	[simem:s7], [sflag:s8] =	dma.local @!p0 [hbm:s6], $0xF7A  }
0x23: {  	s9 =	sor.u32 $0xD0000000, s2;
	s6 =	simm.s32 $0x108;
	_ =	swait.ge @!p0 [sflag:s8], $0x0  }
0x24: {  	s3 =	sadd.s32 $0x88, s3;
	s6 =	simm.s32 @!p1 $0x1082;
	[sflag:s4] =	ssyncset.s32 $0xFFFFF086  }
0x25: {  	[simem:s6], [sflag:s4] =	dma.local [hbm:s3], $0xF7A  }
0x26: {  	[smem:$0x3F9E] =	sst s1;
	(tag) =	ssettag s2;
	_ =	strace s9  }
0x27: {  	s1 =	sld [smem:$0x3FAE]  }
0x28: {  	s2 =	sld [smem:$0x3FAF]  }
0x29: {  	s4 =	sld [smem:$0x3FB1]  }
0x2a: {  	p0 =	seq.s32 s5, $0x0;
	s5 =	sld [smem:$0x3FB2]  }
0x2b: {  	s6 =	sld [smem:$0x3FB3]  }
0x2c: {  	s7 =	sld [smem:$0x3FB4]  }
0x2d: {  	s3 =	simm.s32 $0x108;
	s8 =	sld [smem:$0x3FB5]  }
0x2e: {  	s3 =	simm.s32 @!p0 $0x1082;
	s9 =	sld [smem:$0x3FB6]  }
0x2f: {  	lr =	sadd.s32 s0, s3;
	s0 =	sld [smem:$0x3FAD]  }
0x30: {  	s3 =	sld [smem:$0x3FB0]  }
0x31: {  	[smem:$0x3FB9] =	sst s10  }
0x32: {  	s10 =	sld [smem:$0x3FB7];
	_ =	sdelay $0x3  }
0x33: {  	p0 =	seq.s32 s10, $0x1;
	s10 =	sld [smem:$0x3FB9];
	_ =	sdelay $0x3  }
0x34: {  	[smem:$0x3FB9] =	sst s10  }
0x35: {  	s10 =	sld [smem:$0x3FB8];
	_ =	sdelay $0x3  }
0x36: {  	p1 =	seq.s32 s10, $0x1;
	s10 =	sld [smem:$0x3FB9];
	_ =	sdelay $0x3  }
0x37: {  	[smem:$0x3FB9] =	sst s10  }
0x38: {  	s10 =	sld [smem:$0x3FBA]  }
0x39: {  	_ = 	snop;
	(pc) =	sbr.ind lr, $3  }
0x3a: {  	_ = 	snop  }
0x3b: {  	_ = 	snop  }
0x3c: {  	p2 =	seq.s32 s10, $0x1;
	s10 =	sld [smem:$0x3FB9]  }
0x3d: {  	_ =	shalt  }
0x3e: {  	_ =	shalt  }
0x3f: {  	_ =	shalt  }
0x40: {  	_ =	shalt  }
0x41: {  	_ =	shalt  }
0x42: {  	_ =	shalt  }
0x43: {  	_ =	shalt  }
0x44: {  	_ =	shalt  }
0x45: {  	_ =	shalt  }
0x46: {  	_ =	shalt  }
0x47: {  	_ =	shalt  }
0x48: {  	_ =	shalt  }
0x49: {  	_ =	shalt  }
0x4a: {  	_ =	shalt  }
0x4b: {  	_ =	shalt  }
0x4c: {  	_ =	shalt  }
0x4d: {  	_ =	shalt  }
0x4e: {  	_ =	shalt  }
0x4f: {  	_ =	shalt  }
0x50: {  	_ =	shalt  }
0x51: {  	_ =	shalt  }
0x52: {  	_ =	shalt  }
0x53: {  	_ =	shalt  }
0x54: {  	_ =	shalt  }
0x55: {  	_ =	shalt  }
0x56: {  	_ =	shalt  }
0x57: {  	_ =	shalt  }
0x58: {  	_ =	shalt  }
0x59: {  	_ =	shalt  }
0x5a: {  	_ =	shalt  }
0x5b: {  	_ =	shalt  }
0x5c: {  	_ =	shalt  }
0x5d: {  	_ =	shalt  }
0x5e: {  	_ =	shalt  }
0x5f: {  	_ =	shalt  }
0x60: {  	_ =	shalt  }
0x61: {  	_ =	shalt  }
0x62: {  	_ =	shalt  }
0x63: {  	_ =	shalt  }
0x64: {  	_ =	shalt  }
0x65: {  	_ =	shalt  }
0x66: {  	_ =	shalt  }
0x67: {  	_ =	shalt  }
0x68: {  	_ =	shalt  }
0x69: {  	_ =	shalt  }
0x6a: {  	_ =	shalt  }
0x6b: {  	_ =	shalt  }
0x6c: {  	_ =	shalt  }
0x6d: {  	_ =	shalt  }
0x6e: {  	_ =	shalt  }
0x6f: {  	_ =	shalt  }
0x70: {  	_ =	shalt  }
0x71: {  	_ =	shalt  }
0x72: {  	_ =	shalt  }
0x73: {  	_ =	shalt  }
0x74: {  	_ =	shalt  }
0x75: {  	_ =	shalt  }
0x76: {  	_ =	shalt  }
0x77: {  	_ =	shalt  }
0x78: {  	_ =	shalt  }
0x79: {  	_ =	shalt  }
0x7a: {  	_ =	shalt  }
0x7b: {  	_ =	shalt  }
0x7c: {  	_ =	shalt  }
0x7d: {  	_ =	shalt  }
0x7e: {  	_ =	shalt  }
0x7f: {  	_ =	shalt  }
0x80: {  	_ =	shalt  }
0x81: {  	_ =	shalt  }
0x82: {  	_ =	shalt  }
0x83: {  	_ =	shalt  }
0x84: {  	_ =	shalt  }
0x85: {  	_ =	shalt  }
0x86: {  	_ =	shalt  }
0x87: {  	_ =	shalt  }
.Lfunc_end0:
.L_simem_size_0:
called_computation_lowered:
.L_overlay_start_0:
0x88: {  	s2 =	sld [smem:$0x3FD9]  }
0x89: {  	s3 =	sld [smem:$0x3FFE];
	_ =	sdelay $0x1  }
0x8a: {  	s1 =	srdreg.scid  }
0x8b: {  	s0 =	sand.u32 $0x1, s1  }
0x8c: {  	s18 =	sshll.u32 s0, $0xA;
	s2 =	sadd.s32 s3, s2  }
0x8d: {  	s2 =	sadd.s32 s2, s18  }
0x8e: {  	[smem:$0x3FC5] =	sst s2  }
0x8f: {  	_ = 	snop  }
0x90: {  	s2 =	sld [smem:$0x3FC9]  }
0x91: {  	s19 =	sld [smem:$0x3FC8]  }
0x92: {  	s4 =	sld [smem:$0x3FC7]  }
0x93: {  	s5 =	sld [smem:$0x3FD0];
	(tm) =	ssettm $0x1  }
0x94: {  	s6 =	sld [smem:$0x3FFB];
	_ =	sdelay $0x3  }
0x95: {  	_ =	strace s6  }
0x96: {  	s6 =	sld [smem:$0x3FFC];
	_ =	sdelay $0x3  }
0x97: {  	_ =	strace s6  }
0x98: {  	s6 =	sld [smem:$0x3FFD];
	_ =	sdelay $0x3  }
0x99: {  	_ =	strace s6  }
0x9a: {  	_ =	strace $0x8FFFFFFF  }
0x9b: {  	s20 =	sld [smem:$0x3FDB];
	_ =	sdelay $0x1  }
0x9c: {  	s7 =	simm.s32 $_scs_section_size  }
0x9d: {  	s8 =	simm.s32 $_size__tile_overlayer_lowered;
	s9 =	simm.s32 $_tile_overlayer_lowered  }
0x9e: {  	s23 =	simm.s32 $0x1BFF;
	s22 =	sshll.u32 s9, $0x1;
	s6 =	sadd.s32 s7, s20  }
0x9f: {  	s10 =	simm.s32 $0x0;
	s21 =	sshll.u32 s8, $0x1;
	s8 =	sadd.s32 s22, s6  }
0xa0: {  	[timem:s10], [sflag:s23] =	dma.local [hbm:s8], s21  }
0xa1: {  	_ =	swait.ge [sflag:s23], s21  }
0xa2: {  	s7 =	ssub.s32 $0x0, s21;
	[sflag:s23] =	ssyncset.done $0x0  }
0xa3: {  	[sflag:s23] =	ssyncadd.s32 s7;
	_ =	sdelay $0x1  }
0xa4: {  	s24 =	simm.s32 $0x1B8B  }
0xa5: {  	_ =	swait.ge [sflag:s24], $0x1  }
0xa6: {  	[sflag:s24] =	ssyncset.done $0x0  }
0xa7: {  	s25 =	simm.s32 $0x1B8E;
	[sflag:s24] =	ssyncadd.s32 $0xFFFFFFFF  }
0xa8: {  	s26 =	simm.s32 $execute0_lowered;
	[smem:$0x3FD2] =	sst s25  }
0xa9: {  	s7 =	sshll.u32 s26, $0x1;
	_ =	strace $0x80000046;
	[dreg:$0x1] =	wrdreg $0xFFFFFFFF  }
0xaa: {  	s28 =	simm.s32 $_size_execute0_lowered;
	s6 =	sadd.s32 s6, s7;
	[dreg:$0x0] =	wrdreg $0x0  }
0xab: {  	s7 =	sshll.u32 s28, $0x1;
	[dreg:$0x2] =	wrdreg s6  }
0xac: {  	[dreg:$0x3] =	wrdreg s7  }
0xad: {  	[dreg:$0x4] =	wrdreg $0xC0  }
0xae: {  	_ =	task [dreg:s10], $0x5FFFF  }
0xaf: {  	[dreg:$0x1] =	wrdreg $0xFFFFFFFF  }
0xb0: {  	[dreg:$0x0] =	wrdreg $0x60  }
0xb1: {  	[dreg:$0x2] =	wrdreg s2  }
0xb2: {  	[dreg:$0x3] =	wrdreg s19  }
0xb3: {  	[dreg:$0x4] =	wrdreg s4  }
0xb4: {  	[dreg:$0x5] =	wrdreg s5  }
0xb5: {  	[dreg:$0x6] =	wrdreg $0x9  }
0xb6: {  	_ =	task.clear_ibuf [dreg:s10], $0x7FFFF;
	_ =	strace $0x90000046  }
0xb7: {  	s29 =	simm.s32 $0x9;
	_ =	strace $0x80000048  }
0xb8: {  	_ =	swait.ge [sflag:s29], $0x1  }
0xb9: {  	[sflag:s29] =	ssyncadd.s32 $0xFFFFFFFF  }
0xba: {  	_ =	strace $0x90000048  }
0xbb: {  	_ =	sfence  }
0xbc: {  	s30 =	sld [smem:$0x0];
	_ =	sdelay $0x2  }
0xbd: {  	s31 =	sshll.u32 s1, $0xD;
	s1 =	sshrl.u32 s1, $0x2  }
0xbe: {  	s3 =	sand.u32 $0x4000, s31;
	s1 =	sadd.s32 s1, s30  }
0xbf: {  	s0 =	sor.u32 s3, s0;
	s1 =	sshll.u32 s1, $0x11  }
0xc0: {  	s0 =	sor.u32 s1, s0  }
0xc1: {  	s0 =	sadd.s32 $0x8F2B, s0  }
0xc2: {  	[sflag:s0] =	ssyncadd.remote.s32 $0x1  }
0xc3: {  	_ =	sfence.sel $0xFFFF  }
0xc4: {  	[dreg:$0x0] =	wrdreg $0xFFFFFFFF;
	(pc) =	sbr.abs _section_cstart, $3  }
0xc5: {  	[dreg:$0x1] =	wrdreg $0xFFFFFFFF  }
0xc6: {  	_ =	task.clear_ibuf [dreg:s10], $0x2FFFF;
	_ =	strace $0x9FFFFFFF  }
0xc7: {  	(tm) =	ssettm $0x7FFFFFFF  }
tec
execute0_lowered:
.L_overlay_start_1:
0x0: {  	(tag) =	ssettag $0x1  }
0x1: {  	s1 =	rddreg [dreg:$0x0]  }
0x2: {  	s2 =	rddreg [dreg:$0x1]  }
0x3: {  	s4 =	rddreg [dreg:$0x2]  }
0x4: {  	s5 =	rddreg [dreg:$0x3];
	s6 =	srdreg.scid  }
0x5: {  	s0 =	rddreg [dreg:$0x4];
	s3 =	stileid.u32;
	s11 =	simm.s32 $0x80  }
0x6: {  	s12 =	simm.s32 $0x1;
	s13 =	simm.s32 $0x0;
	s7 =	sand.u32 $0x1, s6  }
0x7: {  	s6 =	simm.s32 $0x0;
	s9 =	sshll.u32 s3, $0x1;
	s8 =	ssub.s32 $0x2, s7  }
0x8: {  	[smem:$0x7FF] =	sst s6;
	s7 =	sor.u32 s7, s9;
	s10 =	sshrl.u32 s8, $0x1  }
0x9: {  	s9 =	simm.s32 $0x2;
	_ =	strace $0x80000047;
	s8 =	ssub.s32 s8, s10  }
0xa: {  	s7 =	smul.u32 $0x32, s7;
	s10 =	simm.s32 $0x4080;
	s8 =	smax.u32 s8, $0x1  }
.LBB2_1:
0xb: {  	s14 =	simm.s32 $0x0  }
.LBB2_2:
0xc: {  	s15 =	sadd.s32 s7, s14  }
0xd: {  	s16 =	sshll.u32 s15, $0x4  }
0xe: {  	s17 =	simm.s32 $0x0;
	s16 =	sadd.s32 s1, s16  }
0xf: {  	[tilespmem:s17], [sflag:$0x2] =	stream.linear.gather [hbm4b:s16+s17], $0x80, $0x38;
	[tilespmem:$0x4100] =	vst v63  }
0x10: {  	s31 =	sshll.u32 s15, $0x1;
	_ =	swait.ge [sflag:s9], $0x80  }
0x11: {  	s16 =	sand.u32 $0x1FFFFFF0, s31;
	[sflag:s9] =	ssyncset.done $0x0  }
0x12: {  	s16 =	sadd.s32 s2, s16;
	[sflag:s9] =	ssyncadd.s32 $0xFFFFFF80  }
0x13: {  	[tilespmem:s10], [sflag:$0x2] =	stream.linear.gather [hbm4b:s16+s17], $0x80, $0x38;
	[tilespmem:$0x4100] =	vst v63  }
0x14: {  	_ =	swait.ge [sflag:s9], $0x80  }
0x15: {  	[sflag:s9] =	ssyncset.done $0x0  }
0x16: {  	[sflag:s9] =	ssyncadd.s32 $0xFFFFFF80  }
0x17: {  	[tilespmem:s11], [sflag:$0x1] =	stream.indirect.gather [hbm4b:s4+s11], $0x80, s17, s11, $0xb8;
	[tilespmem:$0x4100] =	vst v63  }
0x18: {  	_ =	swait.ge [sflag:s12], $0x4000  }
0x19: {  	[sflag:s12] =	ssyncset.done $0x0  }
0x1a: {  	[sflag:s12] =	ssyncadd.s32 $0xFFFFC000  }
0x1b: {  	v6 =	vld [tilespmem:$0x4080]  }
0x1c: {  	v7 =	vld [tilespmem:$0x4090]  }
0x1d: {  	v5 =	vld [tilespmem:$0x40A0]  }
0x1e: {  	v4 =	vld [tilespmem:$0x40B0]  }
0x1f: {  	v3 =	vld [tilespmem:$0x40C0]  }
0x20: {  	v2 =	vld [tilespmem:$0x40D0]  }
0x21: {  	v1 =	vld [tilespmem:$0x40E0]  }
0x22: {  	s16 =	simm.s32 $0x0;
	v0 =	vld [tilespmem:$0x40F0]  }
0x23: {  	v11 =	vld [tilespmem:s16+$0x80]  }
0x24: {  	v13 =	vld [tilespmem:s16+$0x90]  }
0x25: {  	v12 =	vld [tilespmem:s16+$0xA0]  }
0x26: {  	v10 =	vld [tilespmem:s16+$0xB0]  }
0x27: {  	v8 =	vld [tilespmem:s16+$0xC0]  }
0x28: {  	v9 =	vld [tilespmem:s16+$0xD0];
	v14 =	vadd.f32 v11, v6  }
0x29: {  	s17 =	simm.s32 $0x200;
	v13 =	vadd.f32 v13, v7;
	v11 =	vld [tilespmem:s16+$0xE0]  }
.LBB2_3:
0x2a: {  	s18 =	sshra.s32 s17, $0x2;
	p0 =	sne.s32 s17, $0xFE00;
	[tilespmem:s16+$0x80] =	vst v14;
	v12 =	vadd.f32 v12, v5;
	v14 =	vld [tilespmem:s16+$0xF0]  }
0x2b: {  	v15 =	vld [tilespmem:s18+$0x80];
	[tilespmem:s16+$0x90] =	vst v13;
	v10 =	vadd.f32 v10, v4  }
0x2c: {  	v13 =	vld [tilespmem:s18+$0x90];
	[tilespmem:s16+$0xA0] =	vst v12;
	v8 =	vadd.f32 v8, v3  }
.Ltmp0:
0x2d: {  	v12 =	vld [tilespmem:s18+$0xA0];
	[tilespmem:s16+$0xB0] =	vst v10;
	v9 =	vadd.f32 v9, v2;
	(pc) =	sbr.rel @p0 .LBB2_3-.Ltmp0, $4  }
0x2e: {  	v10 =	vld [tilespmem:s18+$0xB0];
	[tilespmem:s16+$0xC0] =	vst v8;
	v11 =	vadd.f32 v11, v1  }
0x2f: {  	v8 =	vld [tilespmem:s18+$0xC0];
	[tilespmem:s16+$0xD0] =	vst v9;
	v16 =	vadd.f32 v14, v0  }
0x30: {  	v14 =	vadd.f32 v15, v6;
	v9 =	vld [tilespmem:s18+$0xD0];
	[tilespmem:s16+$0xE0] =	vst v11  }
0x31: {  	s17 =	sadd.s32 $0x200, s17;
	v13 =	vadd.f32 v13, v7;
	v11 =	vld [tilespmem:s18+$0xE0];
	[tilespmem:s16+$0xF0] =	vst v16;
	s16 =	smov.u32 s18  }
0x32: {  	[tilespmem:s16+$0x80] =	vst v14;
	v5 =	vadd.f32 v12, v5;
	v6 =	vld [tilespmem:s16+$0xF0]  }
0x33: {  	[tilespmem:s16+$0x90] =	vst v13;
	v4 =	vadd.f32 v10, v4  }
0x34: {  	[tilespmem:s16+$0xA0] =	vst v5;
	v3 =	vadd.f32 v8, v3  }
0x35: {  	[tilespmem:s16+$0xB0] =	vst v4;
	v2 =	vadd.f32 v9, v2  }
0x36: {  	[tilespmem:s16+$0xC0] =	vst v3;
	v1 =	vadd.f32 v11, v1  }
0x37: {  	s14 =	sadd.s32 $0x1, s14;
	[tilespmem:s16+$0xD0] =	vst v2;
	v0 =	vadd.f32 v6, v0  }
0x38: {  	s15 =	sshll.u32 s15, $0xB;
	p0 =	sne.s32 s14, $0x32;
	[tilespmem:s16+$0xE0] =	vst v1  }
.Ltmp1:
0x39: {  	s15 =	sadd.s32 s5, s15;
	[tilespmem:s16+$0xF0] =	vst v0;
	(pc) =	sbr.rel @p0 .LBB2_2-.Ltmp1, $4  }
0x3a: {  	[hbm4b:s15+s6] =	stream.linear.scatter [tilespmem:s11], [sflag:$0x2], $0x4000, $0x38;
	[tilespmem:$0x4100] =	vst v63  }
0x3b: {  	_ =	swait.ge [sflag:s9], $0x4000  }
0x3c: {  	[sflag:s9] =	ssyncset.done $0x0  }
0x3d: {  	[sflag:s9] =	ssyncadd.s32 $0xFFFFC000  }
0x3e: {  	s13 =	sadd.s32 $0x1, s13  }
0x3f: {  	p0 =	sne.s32 s13, s8  }
.Ltmp2:
0x40: {  	_ = 	snop;
	(pc) =	sbr.rel @p0 .LBB2_1-.Ltmp2, $1  }
0x41: {  	_ =	sdelay $0x3  }
0x42: {  	_ =	sfence.sel $0x180000  }
0x43: {  	[bflag:$0x0] =	sbarrier.arrive $0xFFFF  }
0x44: {  	p0 =	sne.s32 s3, $0x0;
	_ =	strace $0x90000047  }
0x45: {  	s0 =	sadd.s32 @!p0 $0x100000, s0;
	[bflag:$0x2] =	sbarrier.arrive $0xFFFF  }
0x46: {  	[sflag:s0] =	ssyncadd.tile.s32 @!p0 $0x1;
	_ =	shalt  }
.Lfunc_end2:
_tile_overlayer_lowered:
.L_overlay_start_2:
0x47: {  	(tag) =	ssettag $0x2  }
0x48: {  	s0 =	rddreg [dreg:$0x0];
	s2 =	stileid.u32  }
0x49: {  	s1 =	rddreg [dreg:$0x1];
	p0 =	sne.s32 s2, $0x0  }
0x4a: {  	s3 =	rddreg [dreg:$0x2];
	[bflag:$0x3] =	sbarrier.arrive $0xFFFF;
	s2 =	simm.s32 @!p0 $0x1C02  }
0x4b: {  	[timem:s3], [sflag:s2] =	dma.local @!p0 [hbm:s0], s1  }
0x4c: {  	s0 =	simm.s32 @!p0 $0x2  }
0x4d: {  	_ =	swait.ge @!p0 [sflag:s0], s1  }
0x4e: {  	s1 =	ssub.s32 @!p0 $0x0, s1;
	[sflag:s0] =	ssyncset.done @!p0 $0x0  }
0x4f: {  	[sflag:s0] =	ssyncadd.s32 @!p0 s1  }
0x50: {  	[bflag:$0x3] =	sbarrier.arrive $0xFFFF  }
0x51: {  	_ =	shalt  }

</sc_bundles>
